<compile_context>
chip_gen: v7x
topology: tpu7x:2x2x1
jax: 0.10.2.dev20260603
libtpu: 0.0.44.dev20260713+nightly
codegen_flags: <defaults>
</compile_context>

<pallas_src>
import dataclasses
import jax
import jax.numpy as jnp
from jax import lax
from jax.experimental import pallas as pl
from jax.experimental.pallas import tpu as pltpu
from jax.experimental.pallas import tpu_sc as plsc

_NPIX = float(512 * 512)
_NW = 32
_SPAN = (512 * 512) // _NW


def _sc_hist(o_hbm, t_hbm, out_hbm, b0, b1, b2, b3, tb,
             bins, bins1, bins2, bins3, sem):
    allbins = [bins, bins1, bins2, bins3]
    c = lax.axis_index("c")
    s = lax.axis_index("s")
    w = s * 2 + c
    base = w * _SPAN
    zeros16 = jnp.zeros((16,), jnp.int32)
    ones16 = jnp.ones((16,), jnp.int32)
    lanes = jax.lax.iota(jnp.int32, 16)

    @pl.loop(0, 8)
    def _batch(bi):
        @pl.loop(0, 16)
        def _z(j):
            bins.at[j][...] = zeros16
            bins1.at[j][...] = zeros16
            bins2.at[j][...] = zeros16
            bins3.at[j][...] = zeros16

        cp0 = pltpu.async_copy(o_hbm.at[bi, 0, pl.ds(base, _SPAN)], b0, sem)
        cp1 = pltpu.async_copy(o_hbm.at[bi, 1, pl.ds(base, _SPAN)], b1, sem)
        cp2 = pltpu.async_copy(o_hbm.at[bi, 2, pl.ds(base, _SPAN)], b2, sem)
        cp3 = pltpu.async_copy(o_hbm.at[bi, 3, pl.ds(base, _SPAN)], b3, sem)
        cp4 = pltpu.async_copy(t_hbm.at[bi, pl.ds(base, _SPAN)], tb, sem)
        cp0.wait()
        cp1.wait()
        cp2.wait()
        cp3.wait()
        cp4.wait()

        @pl.loop(0, _SPAN, step=64)
        def _vec(i):
            for u in range(4):
                sl = pl.ds(i + u * 16, 16)
                o0 = b0.at[sl][...]
                o1 = b1.at[sl][...]
                o2 = b2.at[sl][...]
                o3 = b3.at[sl][...]
                tv = tb.at[sl][...]
                gt1 = o1 > o0
                gt3 = o3 > o2
                gtb = jnp.maximum(o2, o3) > jnp.maximum(o0, o1)
                idx = jnp.where(gtb,
                                jnp.where(gt3, jnp.int32(3), jnp.int32(2)),
                                jnp.where(gt1, jnp.int32(1), jnp.int32(0)))
                v = (idx << 2) | tv
                plsc.addupdate_scatter(allbins[u], [lanes, v], ones16)

        @pl.loop(0, 16)
        def _fold(j):
            bins.at[j][...] = (bins.at[j][...] + bins1.at[j][...]
                               + bins2.at[j][...] + bins3.at[j][...])

        pltpu.async_copy(bins, out_hbm.at[w, bi], sem).wait()


def _make_sc_kernel():
    cp = pltpu.CompilerParams()
    if "needs_layout_passes" in pltpu.CompilerParams.__dataclass_fields__:
        cp = dataclasses.replace(cp, needs_layout_passes=False)
    mesh = plsc.VectorSubcoreMesh(core_axis_name="c", subcore_axis_name="s")
    return pl.kernel(
        _sc_hist,
        out_type=jax.ShapeDtypeStruct((_NW, 8, 16, 16), jnp.int32),
        mesh=mesh,
        scratch_types=[
            pltpu.VMEM((_SPAN,), jnp.float32),
            pltpu.VMEM((_SPAN,), jnp.float32),
            pltpu.VMEM((_SPAN,), jnp.float32),
            pltpu.VMEM((_SPAN,), jnp.float32),
            pltpu.VMEM((_SPAN,), jnp.int32),
            pltpu.VMEM((16, 16), jnp.int32),
            pltpu.VMEM((16, 16), jnp.int32),
            pltpu.VMEM((16, 16), jnp.int32),
            pltpu.VMEM((16, 16), jnp.int32),
            pltpu.SemaphoreType.DMA,
        ],
        compiler_params=cp,
    )


def _combine_body(bins_ref, score_ref):
    j = jnp.sum(bins_ref[...], axis=(0, 2)).astype(jnp.float32)
    inter = jnp.stack([j[:, 0], j[:, 5], j[:, 10], j[:, 15]], axis=1)
    p = [j[:, 4 * c] + j[:, 4 * c + 1] + j[:, 4 * c + 2] + j[:, 4 * c + 3]
         for c in range(4)]
    t = [j[:, c] + j[:, 4 + c] + j[:, 8 + c] + j[:, 12 + c]
         for c in range(4)]
    card = (jnp.stack(p, axis=1) + jnp.stack(t, axis=1))
    score_ref[...] = jnp.mean(
        2.0 * inter / jnp.maximum(card, 1.0), axis=0, keepdims=True)


def kernel(output, target):
    o2 = output.reshape(8, 4, 512 * 512)
    t2 = target.reshape(8, 512 * 512)
    bins = _make_sc_kernel()(o2, t2)
    score = pl.pallas_call(
        _combine_body,
        grid=(1,),
        in_specs=[pl.BlockSpec((_NW, 8, 16, 16), lambda i: (0, 0, 0, 0))],
        out_specs=pl.BlockSpec((1, 4), lambda i: (0, 0)),
        out_shape=jax.ShapeDtypeStruct((1, 4), jnp.float32),
    )(bins)
    return score[0]

# --- scband reference (transcript-rebuilt; emitter-appended) ---
"""Pipeline reference for scband-dice-9509057593547 (READ-ONLY COPY).

The authoritative reference and input builder live on the scoring server;
editing this copy changes nothing except your own understanding.
"""

import jax, jax.numpy as jnp
import numpy as np


def setup_inputs(seed: int = 0):
    key = jax.random.key(seed)
    k1, k2 = jax.random.split(key)
    output = jax.random.uniform(k1, (8, 4, 512, 512), dtype=jnp.float32)
    target = jax.random.randint(k2, (8, 1, 512, 512), 0, 4)
    return {"output": output, "target": target}


def reference(output, target):
    # Faithful translation of Dice.forward
    if output.shape[1] == 1:
        # NOTE: in the original torch code this cat result is assigned to `pred`
        # and immediately overwritten by the argmax below, so it is dead code;
        # reproduced here for structural parity.
        _dead = jnp.concatenate((1 - output, output), axis=1)
    C = output.shape[1]
    # pred = zeros_like(output).scatter_(1, argmax_idx, 1)  -> one-hot along dim 1
    pred_idx = jnp.argmax(output, axis=1, keepdims=True)
    class_ids = jnp.arange(C).reshape((1, C) + (1,) * (output.ndim - 2))
    pred = (class_ids == pred_idx).astype(output.dtype)
    # target one-hot: zeros_like(output).scatter_(1, target, 1)
    tgt = (class_ids == target).astype(output.dtype)
    reduced_dims = tuple(range(2, output.ndim))
    intersection = (pred * tgt).sum(axis=reduced_dims)
    cardinality = pred.sum(axis=reduced_dims) + tgt.sum(axis=reduced_dims)
    score = (2 * intersection / jnp.maximum(cardinality, 1.0)).mean(axis=0)
    return score

if __name__ == "__main__":
    import jax
    _d = setup_inputs()
    print(jax.jit(kernel)(*tuple(_d.values())))

</pallas_src>

<mosaic_0001>
#map = affine_map<(d0, d1) -> (0, 0, 0)>
#map1 = affine_map<(d0, d1) -> (0, 0)>
#map2 = affine_map<(d0, d1) -> (0, 0, 0, 0)>
module attributes {stable_mosaic.version = 14 : i64} {
  func.func @_sc_hist(%arg0: i32, %arg1: i32, %arg2: memref<8x4x262144xf32, #tpu.memory_space<hbm>>, %arg3: memref<8x262144xi32, #tpu.memory_space<hbm>>, %arg4: memref<32x8x16x16xi32, #tpu.memory_space<hbm>>, %arg5: memref<8192xf32, #tpu.memory_space<vmem>>, %arg6: memref<8192xf32, #tpu.memory_space<vmem>>, %arg7: memref<8192xf32, #tpu.memory_space<vmem>>, %arg8: memref<8192xf32, #tpu.memory_space<vmem>>, %arg9: memref<8192xi32, #tpu.memory_space<vmem>>, %arg10: memref<16x16xi32, #tpu.memory_space<vmem>>, %arg11: memref<16x16xi32, #tpu.memory_space<vmem>>, %arg12: memref<16x16xi32, #tpu.memory_space<vmem>>, %arg13: memref<16x16xi32, #tpu.memory_space<vmem>>, %arg14: memref<!tpu.dma_semaphore, #tpu.memory_space<semaphore_mem>>) attributes {dimension_semantics = [#tpu.dimension_semantics<core_parallel>, #tpu.dimension_semantics<subcore_parallel>], iteration_bounds = array<i64: 2, 16>, scalar_prefetch = 0 : i64, scratch_operands = 10 : i64, tpu.core_type = #tpu.core_type<sc_vector_subcore>, window_params = [{transform_indices = #map}, {transform_indices = #map1}, {transform_indices = #map2}]} {
    %mul3A = arith.constant 2 : i32
    %mul3A_0 = arith.muli %arg1, %mul3A : i32
    %add3A = arith.addi %mul3A_0, %arg0 : i32
    %mul3A_1 = arith.constant 8192 : i32
    %mul3A_2 = arith.muli %add3A, %mul3A_1 : i32
    %broadcast_in_dim3A = arith.constant 0 : i32
    %broadcast_in_dim3A_3 = vector.broadcast %broadcast_in_dim3A : i32 to vector<16xi32>
    %broadcast_in_dim3A_4 = arith.constant 1 : i32
    %broadcast_in_dim3A_5 = vector.broadcast %broadcast_in_dim3A_4 : i32 to vector<16xi32>
    %iota3A = tpu.iota {dimensions = array<i32: 0>} : vector<16xi32>
    %scan3A = arith.constant 0 : i32
    %scan3A_6 = arith.constant 8 : i32
    %scan3A_7 = arith.addi %scan3A, %scan3A_6 : i32
    %scan3A_8 = arith.constant 1 : i32
    scf.for %scan3A_10 = %scan3A to %scan3A_7 step %scan3A_8  : i32 {
      %mul3A_11 = arith.constant 1 : i32
      %mul3A_12 = arith.muli %scan3A_10, %mul3A_11 : i32
      %add3A_13 = arith.constant 0 : i32
      %add3A_14 = arith.addi %add3A_13, %mul3A_12 : i32
      %scan3A_15 = arith.constant 0 : i32
      %scan3A_16 = arith.constant 16 : i32
      %scan3A_17 = arith.addi %scan3A_15, %scan3A_16 : i32
      %scan3A_18 = arith.constant 1 : i32
      scf.for %scan3A_92 = %scan3A_15 to %scan3A_17 step %scan3A_18  : i32 {
        %mul3A_93 = arith.constant 1 : i32
        %mul3A_94 = arith.muli %scan3A_92, %mul3A_93 : i32
        %add3A_95 = arith.constant 0 : i32
        %add3A_96 = arith.addi %add3A_95, %mul3A_94 : i32
        %swap3A = arith.index_cast %add3A_96 : i32 to index
        %swap3A_97 = arith.constant 0 : index
        %swap3A_98 = tpu.vector_load %arg10[%swap3A, %swap3A_97] {strides = array<i32>} : memref<16x16xi32, #tpu.memory_space<vmem>>, vector<16xi32>,
        tpu.vector_store %arg10[%swap3A, %swap3A_97], %broadcast_in_dim3A_3 {strides = array<i32>} : memref<16x16xi32, #tpu.memory_space<vmem>>, vector<16xi32>,
        %swap3A_99 = arith.index_cast %add3A_96 : i32 to index
        %swap3A_100 = arith.constant 0 : index
        %swap3A_101 = tpu.vector_load %arg11[%swap3A_99, %swap3A_100] {strides = array<i32>} : memref<16x16xi32, #tpu.memory_space<vmem>>, vector<16xi32>,
        tpu.vector_store %arg11[%swap3A_99, %swap3A_100], %broadcast_in_dim3A_3 {strides = array<i32>} : memref<16x16xi32, #tpu.memory_space<vmem>>, vector<16xi32>,
        %swap3A_102 = arith.index_cast %add3A_96 : i32 to index
        %swap3A_103 = arith.constant 0 : index
        %swap3A_104 = tpu.vector_load %arg12[%swap3A_102, %swap3A_103] {strides = array<i32>} : memref<16x16xi32, #tpu.memory_space<vmem>>, vector<16xi32>,
        tpu.vector_store %arg12[%swap3A_102, %swap3A_103], %broadcast_in_dim3A_3 {strides = array<i32>} : memref<16x16xi32, #tpu.memory_space<vmem>>, vector<16xi32>,
        %swap3A_105 = arith.index_cast %add3A_96 : i32 to index
        %swap3A_106 = arith.constant 0 : index
        %swap3A_107 = tpu.vector_load %arg13[%swap3A_105, %swap3A_106] {strides = array<i32>} : memref<16x16xi32, #tpu.memory_space<vmem>>, vector<16xi32>,
        tpu.vector_store %arg13[%swap3A_105, %swap3A_106], %broadcast_in_dim3A_3 {strides = array<i32>} : memref<16x16xi32, #tpu.memory_space<vmem>>, vector<16xi32>,
      }
      %scan3A_19 = arith.constant 16 : i32
      %dma_start3A = arith.constant 0 : i32
      %dma_start3A_20 = tpu.memref_slice %arg2[%add3A_14, %dma_start3A, %mul3A_2] : memref<8x4x262144xf32, #tpu.memory_space<hbm>> -> memref<1x1x8192xf32, #tpu.memory_space<hbm>>
      %dma_start3A_21 = tpu.memref_squeeze %dma_start3A_20 : memref<1x1x8192xf32, #tpu.memory_space<hbm>> -> memref<8192xf32, #tpu.memory_space<hbm>>
      %dma_start3A_22 = tpu.memref_slice %arg2[%add3A_14, %dma_start3A, %mul3A_2] : memref<8x4x262144xf32, #tpu.memory_space<hbm>> -> memref<1x1x8192xf32, #tpu.memory_space<hbm>>
      %dma_start3A_23 = tpu.memref_squeeze %dma_start3A_22 : memref<1x1x8192xf32, #tpu.memory_space<hbm>> -> memref<8192xf32, #tpu.memory_space<hbm>>
      tpu.enqueue_dma source(%dma_start3A_23 : memref<8192xf32, #tpu.memory_space<hbm>>) target(%arg5 : memref<8192xf32, #tpu.memory_space<vmem>>) target_semaphore(%arg14 : memref<!tpu.dma_semaphore, #tpu.memory_space<semaphore_mem>>)
      %dma_start3A_24 = arith.constant 1 : i32
      %dma_start3A_25 = tpu.memref_slice %arg2[%add3A_14, %dma_start3A_24, %mul3A_2] : memref<8x4x262144xf32, #tpu.memory_space<hbm>> -> memref<1x1x8192xf32, #tpu.memory_space<hbm>>
      %dma_start3A_26 = tpu.memref_squeeze %dma_start3A_25 : memref<1x1x8192xf32, #tpu.memory_space<hbm>> -> memref<8192xf32, #tpu.memory_space<hbm>>
      %dma_start3A_27 = tpu.memref_slice %arg2[%add3A_14, %dma_start3A_24, %mul3A_2] : memref<8x4x262144xf32, #tpu.memory_space<hbm>> -> memref<1x1x8192xf32, #tpu.memory_space<hbm>>
      %dma_start3A_28 = tpu.memref_squeeze %dma_start3A_27 : memref<1x1x8192xf32, #tpu.memory_space<hbm>> -> memref<8192xf32, #tpu.memory_space<hbm>>
      tpu.enqueue_dma source(%dma_start3A_28 : memref<8192xf32, #tpu.memory_space<hbm>>) target(%arg6 : memref<8192xf32, #tpu.memory_space<vmem>>) target_semaphore(%arg14 : memref<!tpu.dma_semaphore, #tpu.memory_space<semaphore_mem>>)
      %dma_start3A_29 = arith.constant 2 : i32
      %dma_start3A_30 = tpu.memref_slice %arg2[%add3A_14, %dma_start3A_29, %mul3A_2] : memref<8x4x262144xf32, #tpu.memory_space<hbm>> -> memref<1x1x8192xf32, #tpu.memory_space<hbm>>
      %dma_start3A_31 = tpu.memref_squeeze %dma_start3A_30 : memref<1x1x8192xf32, #tpu.memory_space<hbm>> -> memref<8192xf32, #tpu.memory_space<hbm>>
      %dma_start3A_32 = tpu.memref_slice %arg2[%add3A_14, %dma_start3A_29, %mul3A_2] : memref<8x4x262144xf32, #tpu.memory_space<hbm>> -> memref<1x1x8192xf32, #tpu.memory_space<hbm>>
      %dma_start3A_33 = tpu.memref_squeeze %dma_start3A_32 : memref<1x1x8192xf32, #tpu.memory_space<hbm>> -> memref<8192xf32, #tpu.memory_space<hbm>>
      tpu.enqueue_dma source(%dma_start3A_33 : memref<8192xf32, #tpu.memory_space<hbm>>) target(%arg7 : memref<8192xf32, #tpu.memory_space<vmem>>) target_semaphore(%arg14 : memref<!tpu.dma_semaphore, #tpu.memory_space<semaphore_mem>>)
      %dma_start3A_34 = arith.constant 3 : i32
      %dma_start3A_35 = tpu.memref_slice %arg2[%add3A_14, %dma_start3A_34, %mul3A_2] : memref<8x4x262144xf32, #tpu.memory_space<hbm>> -> memref<1x1x8192xf32, #tpu.memory_space<hbm>>
      %dma_start3A_36 = tpu.memref_squeeze %dma_start3A_35 : memref<1x1x8192xf32, #tpu.memory_space<hbm>> -> memref<8192xf32, #tpu.memory_space<hbm>>
      %dma_start3A_37 = tpu.memref_slice %arg2[%add3A_14, %dma_start3A_34, %mul3A_2] : memref<8x4x262144xf32, #tpu.memory_space<hbm>> -> memref<1x1x8192xf32, #tpu.memory_space<hbm>>
      %dma_start3A_38 = tpu.memref_squeeze %dma_start3A_37 : memref<1x1x8192xf32, #tpu.memory_space<hbm>> -> memref<8192xf32, #tpu.memory_space<hbm>>
      tpu.enqueue_dma source(%dma_start3A_38 : memref<8192xf32, #tpu.memory_space<hbm>>) target(%arg8 : memref<8192xf32, #tpu.memory_space<vmem>>) target_semaphore(%arg14 : memref<!tpu.dma_semaphore, #tpu.memory_space<semaphore_mem>>)
      %dma_start3A_39 = tpu.memref_slice %arg3[%add3A_14, %mul3A_2] : memref<8x262144xi32, #tpu.memory_space<hbm>> -> memref<1x8192xi32, #tpu.memory_space<hbm>>
      %dma_start3A_40 = tpu.memref_squeeze %dma_start3A_39 : memref<1x8192xi32, #tpu.memory_space<hbm>> -> memref<8192xi32, #tpu.memory_space<hbm>>
      %dma_start3A_41 = tpu.memref_slice %arg3[%add3A_14, %mul3A_2] : memref<8x262144xi32, #tpu.memory_space<hbm>> -> memref<1x8192xi32, #tpu.memory_space<hbm>>
      %dma_start3A_42 = tpu.memref_squeeze %dma_start3A_41 : memref<1x8192xi32, #tpu.memory_space<hbm>> -> memref<8192xi32, #tpu.memory_space<hbm>>
      tpu.enqueue_dma source(%dma_start3A_42 : memref<8192xi32, #tpu.memory_space<hbm>>) target(%arg9 : memref<8192xi32, #tpu.memory_space<vmem>>) target_semaphore(%arg14 : memref<!tpu.dma_semaphore, #tpu.memory_space<semaphore_mem>>)
      %dma_wait3A = arith.constant 0 : i32
      %dma_wait3A_43 = tpu.memref_slice %arg2[%add3A_14, %dma_wait3A, %mul3A_2] : memref<8x4x262144xf32, #tpu.memory_space<hbm>> -> memref<1x1x8192xf32, #tpu.memory_space<hbm>>
      %dma_wait3A_44 = tpu.memref_squeeze %dma_wait3A_43 : memref<1x1x8192xf32, #tpu.memory_space<hbm>> -> memref<8192xf32, #tpu.memory_space<hbm>>
      %dma_wait3A_45 = tpu.memref_slice %arg2[%add3A_14, %dma_wait3A, %mul3A_2] : memref<8x4x262144xf32, #tpu.memory_space<hbm>> -> memref<1x1x8192xf32, #tpu.memory_space<hbm>>
      %dma_wait3A_46 = tpu.memref_squeeze %dma_wait3A_45 : memref<1x1x8192xf32, #tpu.memory_space<hbm>> -> memref<8192xf32, #tpu.memory_space<hbm>>
      tpu.wait_dma2 semaphore(%arg14 : memref<!tpu.dma_semaphore, #tpu.memory_space<semaphore_mem>>) src(%dma_wait3A_46 : memref<8192xf32, #tpu.memory_space<hbm>>) dst(%arg5 : memref<8192xf32, #tpu.memory_space<vmem>>)
      %dma_wait3A_47 = arith.constant 1 : i32
      %dma_wait3A_48 = tpu.memref_slice %arg2[%add3A_14, %dma_wait3A_47, %mul3A_2] : memref<8x4x262144xf32, #tpu.memory_space<hbm>> -> memref<1x1x8192xf32, #tpu.memory_space<hbm>>
      %dma_wait3A_49 = tpu.memref_squeeze %dma_wait3A_48 : memref<1x1x8192xf32, #tpu.memory_space<hbm>> -> memref<8192xf32, #tpu.memory_space<hbm>>
      %dma_wait3A_50 = tpu.memref_slice %arg2[%add3A_14, %dma_wait3A_47, %mul3A_2] : memref<8x4x262144xf32, #tpu.memory_space<hbm>> -> memref<1x1x8192xf32, #tpu.memory_space<hbm>>
      %dma_wait3A_51 = tpu.memref_squeeze %dma_wait3A_50 : memref<1x1x8192xf32, #tpu.memory_space<hbm>> -> memref<8192xf32, #tpu.memory_space<hbm>>
      tpu.wait_dma2 semaphore(%arg14 : memref<!tpu.dma_semaphore, #tpu.memory_space<semaphore_mem>>) src(%dma_wait3A_51 : memref<8192xf32, #tpu.memory_space<hbm>>) dst(%arg6 : memref<8192xf32, #tpu.memory_space<vmem>>)
      %dma_wait3A_52 = arith.constant 2 : i32
      %dma_wait3A_53 = tpu.memref_slice %arg2[%add3A_14, %dma_wait3A_52, %mul3A_2] : memref<8x4x262144xf32, #tpu.memory_space<hbm>> -> memref<1x1x8192xf32, #tpu.memory_space<hbm>>
      %dma_wait3A_54 = tpu.memref_squeeze %dma_wait3A_53 : memref<1x1x8192xf32, #tpu.memory_space<hbm>> -> memref<8192xf32, #tpu.memory_space<hbm>>
      %dma_wait3A_55 = tpu.memref_slice %arg2[%add3A_14, %dma_wait3A_52, %mul3A_2] : memref<8x4x262144xf32, #tpu.memory_space<hbm>> -> memref<1x1x8192xf32, #tpu.memory_space<hbm>>
      %dma_wait3A_56 = tpu.memref_squeeze %dma_wait3A_55 : memref<1x1x8192xf32, #tpu.memory_space<hbm>> -> memref<8192xf32, #tpu.memory_space<hbm>>
      tpu.wait_dma2 semaphore(%arg14 : memref<!tpu.dma_semaphore, #tpu.memory_space<semaphore_mem>>) src(%dma_wait3A_56 : memref<8192xf32, #tpu.memory_space<hbm>>) dst(%arg7 : memref<8192xf32, #tpu.memory_space<vmem>>)
      %dma_wait3A_57 = arith.constant 3 : i32
      %dma_wait3A_58 = tpu.memref_slice %arg2[%add3A_14, %dma_wait3A_57, %mul3A_2] : memref<8x4x262144xf32, #tpu.memory_space<hbm>> -> memref<1x1x8192xf32, #tpu.memory_space<hbm>>
      %dma_wait3A_59 = tpu.memref_squeeze %dma_wait3A_58 : memref<1x1x8192xf32, #tpu.memory_space<hbm>> -> memref<8192xf32, #tpu.memory_space<hbm>>
      %dma_wait3A_60 = tpu.memref_slice %arg2[%add3A_14, %dma_wait3A_57, %mul3A_2] : memref<8x4x262144xf32, #tpu.memory_space<hbm>> -> memref<1x1x8192xf32, #tpu.memory_space<hbm>>
      %dma_wait3A_61 = tpu.memref_squeeze %dma_wait3A_60 : memref<1x1x8192xf32, #tpu.memory_space<hbm>> -> memref<8192xf32, #tpu.memory_space<hbm>>
      tpu.wait_dma2 semaphore(%arg14 : memref<!tpu.dma_semaphore, #tpu.memory_space<semaphore_mem>>) src(%dma_wait3A_61 : memref<8192xf32, #tpu.memory_space<hbm>>) dst(%arg8 : memref<8192xf32, #tpu.memory_space<vmem>>)
      %dma_wait3A_62 = tpu.memref_slice %arg3[%add3A_14, %mul3A_2] : memref<8x262144xi32, #tpu.memory_space<hbm>> -> memref<1x8192xi32, #tpu.memory_space<hbm>>
      %dma_wait3A_63 = tpu.memref_squeeze %dma_wait3A_62 : memref<1x8192xi32, #tpu.memory_space<hbm>> -> memref<8192xi32, #tpu.memory_space<hbm>>
      %dma_wait3A_64 = tpu.memref_slice %arg3[%add3A_14, %mul3A_2] : memref<8x262144xi32, #tpu.memory_space<hbm>> -> memref<1x8192xi32, #tpu.memory_space<hbm>>
      %dma_wait3A_65 = tpu.memref_squeeze %dma_wait3A_64 : memref<1x8192xi32, #tpu.memory_space<hbm>> -> memref<8192xi32, #tpu.memory_space<hbm>>
      tpu.wait_dma2 semaphore(%arg14 : memref<!tpu.dma_semaphore, #tpu.memory_space<semaphore_mem>>) src(%dma_wait3A_65 : memref<8192xi32, #tpu.memory_space<hbm>>) dst(%arg9 : memref<8192xi32, #tpu.memory_space<vmem>>)
      %scan3A_66 = arith.constant 0 : i32
      %scan3A_67 = arith.constant 128 : i32
      %scan3A_68 = arith.addi %scan3A_66, %scan3A_67 : i32
      %scan3A_69 = arith.constant 1 : i32
      scf.for %scan3A_92 = %scan3A_66 to %scan3A_68 step %scan3A_69  : i32 {
        %mul3A_93 = arith.constant 64 : i32
        %mul3A_94 = arith.muli %scan3A_92, %mul3A_93 : i32
        %add3A_95 = arith.constant 0 : i32
        %add3A_96 = arith.addi %add3A_95, %mul3A_94 : i32
        %add3A_97 = arith.constant 0 : i32
        %add3A_98 = arith.addi %add3A_96, %add3A_97 : i32
        %get3A = arith.index_cast %add3A_98 : i32 to index
        %get3A_99 = tpu.vector_load %arg5[%get3A] {strides = array<i32>} : memref<8192xf32, #tpu.memory_space<vmem>>, vector<16xf32>,
        %get3A_100 = arith.index_cast %add3A_98 : i32 to index
        %get3A_101 = tpu.vector_load %arg6[%get3A_100] {strides = array<i32>} : memref<8192xf32, #tpu.memory_space<vmem>>, vector<16xf32>,
        %get3A_102 = arith.index_cast %add3A_98 : i32 to index
        %get3A_103 = tpu.vector_load %arg7[%get3A_102] {strides = array<i32>} : memref<8192xf32, #tpu.memory_space<vmem>>, vector<16xf32>,
        %get3A_104 = arith.index_cast %add3A_98 : i32 to index
        %get3A_105 = tpu.vector_load %arg8[%get3A_104] {strides = array<i32>} : memref<8192xf32, #tpu.memory_space<vmem>>, vector<16xf32>,
        %get3A_106 = arith.index_cast %add3A_98 : i32 to index
        %get3A_107 = tpu.vector_load %arg9[%get3A_106] {strides = array<i32>} : memref<8192xi32, #tpu.memory_space<vmem>>, vector<16xi32>,
        %gt3A = arith.cmpf ogt, %get3A_101, %get3A_99 : vector<16xf32>
        %gt3A_108 = arith.cmpf ogt, %get3A_105, %get3A_103 : vector<16xf32>
        %max3A = arith.maximumf %get3A_103, %get3A_105 : vector<16xf32>
        %max3A_109 = arith.maximumf %get3A_99, %get3A_101 : vector<16xf32>
        %gt3A_110 = arith.cmpf ogt, %max3A, %max3A_109 : vector<16xf32>
        %jit3A = arith.constant 3 : i32
        %jit3A_111 = arith.constant 2 : i32
        %broadcast_in_dim3A_112 = vector.broadcast %jit3A : i32 to vector<16xi32>
        %broadcast_in_dim3A_113 = vector.broadcast %jit3A_111 : i32 to vector<16xi32>
        %select_n3A = arith.select %gt3A_108, %broadcast_in_dim3A_112, %broadcast_in_dim3A_113 : vector<16xi1>, vector<16xi32>
        %jit3A_114 = arith.constant 1 : i32
        %jit3A_115 = arith.constant 0 : i32
        %broadcast_in_dim3A_116 = vector.broadcast %jit3A_114 : i32 to vector<16xi32>
        %broadcast_in_dim3A_117 = vector.broadcast %jit3A_115 : i32 to vector<16xi32>
        %select_n3A_118 = arith.select %gt3A, %broadcast_in_dim3A_116, %broadcast_in_dim3A_117 : vector<16xi1>, vector<16xi32>
        %select_n3A_119 = arith.select %gt3A_110, %select_n3A, %select_n3A_118 : vector<16xi1>, vector<16xi32>
        %shift_left3A = arith.constant 2 : i32
        %shift_left3A_120 = vector.broadcast %shift_left3A : i32 to vector<16xi32>
        %shift_left3A_121 = arith.shli %select_n3A_119, %shift_left3A_120 : vector<16xi32>
        %or3A = arith.ori %shift_left3A_121, %get3A_107 : vector<16xi32>
        tpu.vector_store_idx %arg10[%iota3A, %or3A], %broadcast_in_dim3A_5 {add = true} : memref<16x16xi32, #tpu.memory_space<vmem>>[vector<16xi32>, vector<16xi32>], vector<16xi32>,
        %add3A_122 = arith.constant 16 : i32
        %add3A_123 = arith.addi %add3A_96, %add3A_122 : i32
        %get3A_124 = arith.index_cast %add3A_123 : i32 to index
        %get3A_125 = tpu.vector_load %arg5[%get3A_124] {strides = array<i32>} : memref<8192xf32, #tpu.memory_space<vmem>>, vector<16xf32>,
        %get3A_126 = arith.index_cast %add3A_123 : i32 to index
        %get3A_127 = tpu.vector_load %arg6[%get3A_126] {strides = array<i32>} : memref<8192xf32, #tpu.memory_space<vmem>>, vector<16xf32>,
        %get3A_128 = arith.index_cast %add3A_123 : i32 to index
        %get3A_129 = tpu.vector_load %arg7[%get3A_128] {strides = array<i32>} : memref<8192xf32, #tpu.memory_space<vmem>>, vector<16xf32>,
        %get3A_130 = arith.index_cast %add3A_123 : i32 to index
        %get3A_131 = tpu.vector_load %arg8[%get3A_130] {strides = array<i32>} : memref<8192xf32, #tpu.memory_space<vmem>>, vector<16xf32>,
        %get3A_132 = arith.index_cast %add3A_123 : i32 to index
        %get3A_133 = tpu.vector_load %arg9[%get3A_132] {strides = array<i32>} : memref<8192xi32, #tpu.memory_space<vmem>>, vector<16xi32>,
        %gt3A_134 = arith.cmpf ogt, %get3A_127, %get3A_125 : vector<16xf32>
        %gt3A_135 = arith.cmpf ogt, %get3A_131, %get3A_129 : vector<16xf32>
        %max3A_136 = arith.maximumf %get3A_129, %get3A_131 : vector<16xf32>
        %max3A_137 = arith.maximumf %get3A_125, %get3A_127 : vector<16xf32>
        %gt3A_138 = arith.cmpf ogt, %max3A_136, %max3A_137 : vector<16xf32>
        %jit3A_139 = arith.constant 3 : i32
        %jit3A_140 = arith.constant 2 : i32
        %broadcast_in_dim3A_141 = vector.broadcast %jit3A_139 : i32 to vector<16xi32>
        %broadcast_in_dim3A_142 = vector.broadcast %jit3A_140 : i32 to vector<16xi32>
        %select_n3A_143 = arith.select %gt3A_135, %broadcast_in_dim3A_141, %broadcast_in_dim3A_142 : vector<16xi1>, vector<16xi32>
        %jit3A_144 = arith.constant 1 : i32
        %jit3A_145 = arith.constant 0 : i32
        %broadcast_in_dim3A_146 = vector.broadcast %jit3A_144 : i32 to vector<16xi32>
        %broadcast_in_dim3A_147 = vector.broadcast %jit3A_145 : i32 to vector<16xi32>
        %select_n3A_148 = arith.select %gt3A_134, %broadcast_in_dim3A_146, %broadcast_in_dim3A_147 : vector<16xi1>, vector<16xi32>
        %select_n3A_149 = arith.select %gt3A_138, %select_n3A_143, %select_n3A_148 : vector<16xi1>, vector<16xi32>
        %shift_left3A_150 = arith.constant 2 : i32
        %shift_left3A_151 = vector.broadcast %shift_left3A_150 : i32 to vector<16xi32>
        %shift_left3A_152 = arith.shli %select_n3A_149, %shift_left3A_151 : vector<16xi32>
        %or3A_153 = arith.ori %shift_left3A_152, %get3A_133 : vector<16xi32>
        tpu.vector_store_idx %arg11[%iota3A, %or3A_153], %broadcast_in_dim3A_5 {add = true} : memref<16x16xi32, #tpu.memory_space<vmem>>[vector<16xi32>, vector<16xi32>], vector<16xi32>,
        %add3A_154 = arith.constant 32 : i32
        %add3A_155 = arith.addi %add3A_96, %add3A_154 : i32
        %get3A_156 = arith.index_cast %add3A_155 : i32 to index
        %get3A_157 = tpu.vector_load %arg5[%get3A_156] {strides = array<i32>} : memref<8192xf32, #tpu.memory_space<vmem>>, vector<16xf32>,
        %get3A_158 = arith.index_cast %add3A_155 : i32 to index
        %get3A_159 = tpu.vector_load %arg6[%get3A_158] {strides = array<i32>} : memref<8192xf32, #tpu.memory_space<vmem>>, vector<16xf32>,
        %get3A_160 = arith.index_cast %add3A_155 : i32 to index
        %get3A_161 = tpu.vector_load %arg7[%get3A_160] {strides = array<i32>} : memref<8192xf32, #tpu.memory_space<vmem>>, vector<16xf32>,
        %get3A_162 = arith.index_cast %add3A_155 : i32 to index
        %get3A_163 = tpu.vector_load %arg8[%get3A_162] {strides = array<i32>} : memref<8192xf32, #tpu.memory_space<vmem>>, vector<16xf32>,
        %get3A_164 = arith.index_cast %add3A_155 : i32 to index
        %get3A_165 = tpu.vector_load %arg9[%get3A_164] {strides = array<i32>} : memref<8192xi32, #tpu.memory_space<vmem>>, vector<16xi32>,
        %gt3A_166 = arith.cmpf ogt, %get3A_159, %get3A_157 : vector<16xf32>
        %gt3A_167 = arith.cmpf ogt, %get3A_163, %get3A_161 : vector<16xf32>
        %max3A_168 = arith.maximumf %get3A_161, %get3A_163 : vector<16xf32>
        %max3A_169 = arith.maximumf %get3A_157, %get3A_159 : vector<16xf32>
        %gt3A_170 = arith.cmpf ogt, %max3A_168, %max3A_169 : vector<16xf32>
        %jit3A_171 = arith.constant 3 : i32
        %jit3A_172 = arith.constant 2 : i32
        %broadcast_in_dim3A_173 = vector.broadcast %jit3A_171 : i32 to vector<16xi32>
        %broadcast_in_dim3A_174 = vector.broadcast %jit3A_172 : i32 to vector<16xi32>
        %select_n3A_175 = arith.select %gt3A_167, %broadcast_in_dim3A_173, %broadcast_in_dim3A_174 : vector<16xi1>, vector<16xi32>
        %jit3A_176 = arith.constant 1 : i32
        %jit3A_177 = arith.constant 0 : i32
        %broadcast_in_dim3A_178 = vector.broadcast %jit3A_176 : i32 to vector<16xi32>
        %broadcast_in_dim3A_179 = vector.broadcast %jit3A_177 : i32 to vector<16xi32>
        %select_n3A_180 = arith.select %gt3A_166, %broadcast_in_dim3A_178, %broadcast_in_dim3A_179 : vector<16xi1>, vector<16xi32>
        %select_n3A_181 = arith.select %gt3A_170, %select_n3A_175, %select_n3A_180 : vector<16xi1>, vector<16xi32>
        %shift_left3A_182 = arith.constant 2 : i32
        %shift_left3A_183 = vector.broadcast %shift_left3A_182 : i32 to vector<16xi32>
        %shift_left3A_184 = arith.shli %select_n3A_181, %shift_left3A_183 : vector<16xi32>
        %or3A_185 = arith.ori %shift_left3A_184, %get3A_165 : vector<16xi32>
        tpu.vector_store_idx %arg12[%iota3A, %or3A_185], %broadcast_in_dim3A_5 {add = true} : memref<16x16xi32, #tpu.memory_space<vmem>>[vector<16xi32>, vector<16xi32>], vector<16xi32>,
        %add3A_186 = arith.constant 48 : i32
        %add3A_187 = arith.addi %add3A_96, %add3A_186 : i32
        %get3A_188 = arith.index_cast %add3A_187 : i32 to index
        %get3A_189 = tpu.vector_load %arg5[%get3A_188] {strides = array<i32>} : memref<8192xf32, #tpu.memory_space<vmem>>, vector<16xf32>,
        %get3A_190 = arith.index_cast %add3A_187 : i32 to index
        %get3A_191 = tpu.vector_load %arg6[%get3A_190] {strides = array<i32>} : memref<8192xf32, #tpu.memory_space<vmem>>, vector<16xf32>,
        %get3A_192 = arith.index_cast %add3A_187 : i32 to index
        %get3A_193 = tpu.vector_load %arg7[%get3A_192] {strides = array<i32>} : memref<8192xf32, #tpu.memory_space<vmem>>, vector<16xf32>,
        %get3A_194 = arith.index_cast %add3A_187 : i32 to index
        %get3A_195 = tpu.vector_load %arg8[%get3A_194] {strides = array<i32>} : memref<8192xf32, #tpu.memory_space<vmem>>, vector<16xf32>,
        %get3A_196 = arith.index_cast %add3A_187 : i32 to index
        %get3A_197 = tpu.vector_load %arg9[%get3A_196] {strides = array<i32>} : memref<8192xi32, #tpu.memory_space<vmem>>, vector<16xi32>,
        %gt3A_198 = arith.cmpf ogt, %get3A_191, %get3A_189 : vector<16xf32>
        %gt3A_199 = arith.cmpf ogt, %get3A_195, %get3A_193 : vector<16xf32>
        %max3A_200 = arith.maximumf %get3A_193, %get3A_195 : vector<16xf32>
        %max3A_201 = arith.maximumf %get3A_189, %get3A_191 : vector<16xf32>
        %gt3A_202 = arith.cmpf ogt, %max3A_200, %max3A_201 : vector<16xf32>
        %jit3A_203 = arith.constant 3 : i32
        %jit3A_204 = arith.constant 2 : i32
        %broadcast_in_dim3A_205 = vector.broadcast %jit3A_203 : i32 to vector<16xi32>
        %broadcast_in_dim3A_206 = vector.broadcast %jit3A_204 : i32 to vector<16xi32>
        %select_n3A_207 = arith.select %gt3A_199, %broadcast_in_dim3A_205, %broadcast_in_dim3A_206 : vector<16xi1>, vector<16xi32>
        %jit3A_208 = arith.constant 1 : i32
        %jit3A_209 = arith.constant 0 : i32
        %broadcast_in_dim3A_210 = vector.broadcast %jit3A_208 : i32 to vector<16xi32>
        %broadcast_in_dim3A_211 = vector.broadcast %jit3A_209 : i32 to vector<16xi32>
        %select_n3A_212 = arith.select %gt3A_198, %broadcast_in_dim3A_210, %broadcast_in_dim3A_211 : vector<16xi1>, vector<16xi32>
        %select_n3A_213 = arith.select %gt3A_202, %select_n3A_207, %select_n3A_212 : vector<16xi1>, vector<16xi32>
        %shift_left3A_214 = arith.constant 2 : i32
        %shift_left3A_215 = vector.broadcast %shift_left3A_214 : i32 to vector<16xi32>
        %shift_left3A_216 = arith.shli %select_n3A_213, %shift_left3A_215 : vector<16xi32>
        %or3A_217 = arith.ori %shift_left3A_216, %get3A_197 : vector<16xi32>
        tpu.vector_store_idx %arg13[%iota3A, %or3A_217], %broadcast_in_dim3A_5 {add = true} : memref<16x16xi32, #tpu.memory_space<vmem>>[vector<16xi32>, vector<16xi32>], vector<16xi32>,
      }
      %scan3A_70 = arith.constant 128 : i32
      %scan3A_71 = arith.constant 0 : i32
      %scan3A_72 = arith.constant 16 : i32
      %scan3A_73 = arith.addi %scan3A_71, %scan3A_72 : i32
      %scan3A_74 = arith.constant 1 : i32
      scf.for %scan3A_92 = %scan3A_71 to %scan3A_73 step %scan3A_74  : i32 {
        %mul3A_93 = arith.constant 1 : i32
        %mul3A_94 = arith.muli %scan3A_92, %mul3A_93 : i32
        %add3A_95 = arith.constant 0 : i32
        %add3A_96 = arith.addi %add3A_95, %mul3A_94 : i32
        %get3A = arith.index_cast %add3A_96 : i32 to index
        %get3A_97 = arith.constant 0 : index
        %get3A_98 = tpu.vector_load %arg10[%get3A, %get3A_97] {strides = array<i32>} : memref<16x16xi32, #tpu.memory_space<vmem>>, vector<16xi32>,
        %get3A_99 = arith.index_cast %add3A_96 : i32 to index
        %get3A_100 = arith.constant 0 : index
        %get3A_101 = tpu.vector_load %arg11[%get3A_99, %get3A_100] {strides = array<i32>} : memref<16x16xi32, #tpu.memory_space<vmem>>, vector<16xi32>,
        %add3A_102 = arith.addi %get3A_98, %get3A_101 : vector<16xi32>
        %get3A_103 = arith.index_cast %add3A_96 : i32 to index
        %get3A_104 = arith.constant 0 : index
        %get3A_105 = tpu.vector_load %arg12[%get3A_103, %get3A_104] {strides = array<i32>} : memref<16x16xi32, #tpu.memory_space<vmem>>, vector<16xi32>,
        %add3A_106 = arith.addi %add3A_102, %get3A_105 : vector<16xi32>
        %get3A_107 = arith.index_cast %add3A_96 : i32 to index
        %get3A_108 = arith.constant 0 : index
        %get3A_109 = tpu.vector_load %arg13[%get3A_107, %get3A_108] {strides = array<i32>} : memref<16x16xi32, #tpu.memory_space<vmem>>, vector<16xi32>,
        %add3A_110 = arith.addi %add3A_106, %get3A_109 : vector<16xi32>
        %swap3A = arith.index_cast %add3A_96 : i32 to index
        %swap3A_111 = arith.constant 0 : index
        %swap3A_112 = tpu.vector_load %arg10[%swap3A, %swap3A_111] {strides = array<i32>} : memref<16x16xi32, #tpu.memory_space<vmem>>, vector<16xi32>,
        tpu.vector_store %arg10[%swap3A, %swap3A_111], %add3A_110 {strides = array<i32>} : memref<16x16xi32, #tpu.memory_space<vmem>>, vector<16xi32>,
      }
      %scan3A_75 = arith.constant 16 : i32
      %dma_start3A_76 = arith.constant 0 : i32
      %dma_start3A_77 = arith.constant 0 : i32
      %dma_start3A_78 = tpu.memref_slice %arg4[%add3A, %add3A_14, %dma_start3A_76, %dma_start3A_77] : memref<32x8x16x16xi32, #tpu.memory_space<hbm>> -> memref<1x1x16x16xi32, #tpu.memory_space<hbm>>
      %dma_start3A_79 = tpu.memref_squeeze %dma_start3A_78 : memref<1x1x16x16xi32, #tpu.memory_space<hbm>> -> memref<16x16xi32, #tpu.memory_space<hbm>>
      %dma_start3A_80 = arith.constant 0 : i32
      %dma_start3A_81 = arith.constant 0 : i32
      %dma_start3A_82 = tpu.memref_slice %arg4[%add3A, %add3A_14, %dma_start3A_80, %dma_start3A_81] : memref<32x8x16x16xi32, #tpu.memory_space<hbm>> -> memref<1x1x16x16xi32, #tpu.memory_space<hbm>>
      %dma_start3A_83 = tpu.memref_squeeze %dma_start3A_82 : memref<1x1x16x16xi32, #tpu.memory_space<hbm>> -> memref<16x16xi32, #tpu.memory_space<hbm>>
      tpu.enqueue_dma source(%arg10 : memref<16x16xi32, #tpu.memory_space<vmem>>) target(%dma_start3A_83 : memref<16x16xi32, #tpu.memory_space<hbm>>) target_semaphore(%arg14 : memref<!tpu.dma_semaphore, #tpu.memory_space<semaphore_mem>>)
      %dma_wait3A_84 = arith.constant 0 : i32
      %dma_wait3A_85 = arith.constant 0 : i32
      %dma_wait3A_86 = tpu.memref_slice %arg4[%add3A, %add3A_14, %dma_wait3A_84, %dma_wait3A_85] : memref<32x8x16x16xi32, #tpu.memory_space<hbm>> -> memref<1x1x16x16xi32, #tpu.memory_space<hbm>>
      %dma_wait3A_87 = tpu.memref_squeeze %dma_wait3A_86 : memref<1x1x16x16xi32, #tpu.memory_space<hbm>> -> memref<16x16xi32, #tpu.memory_space<hbm>>
      %dma_wait3A_88 = arith.constant 0 : i32
      %dma_wait3A_89 = arith.constant 0 : i32
      %dma_wait3A_90 = tpu.memref_slice %arg4[%add3A, %add3A_14, %dma_wait3A_88, %dma_wait3A_89] : memref<32x8x16x16xi32, #tpu.memory_space<hbm>> -> memref<1x1x16x16xi32, #tpu.memory_space<hbm>>
      %dma_wait3A_91 = tpu.memref_squeeze %dma_wait3A_90 : memref<1x1x16x16xi32, #tpu.memory_space<hbm>> -> memref<16x16xi32, #tpu.memory_space<hbm>>
      tpu.wait_dma2 semaphore(%arg14 : memref<!tpu.dma_semaphore, #tpu.memory_space<semaphore_mem>>) src(%arg10 : memref<16x16xi32, #tpu.memory_space<vmem>>) dst(%dma_wait3A_91 : memref<16x16xi32, #tpu.memory_space<hbm>>)
    }
    %scan3A_9 = arith.constant 8 : i32
    return
  }
}

module attributes {stable_mosaic.version = 14 : i64} {
  func.func @_combine_body(%arg0: i32, %arg1: memref<32x8x16x16xi32, #tpu.memory_space<vmem>>, %arg2: memref<1x4xf32, #tpu.memory_space<vmem>>) attributes {dimension_semantics = [#tpu.dimension_semantics<arbitrary>], iteration_bounds = array<i64: 1>, scalar_prefetch = 0 : i64, scratch_operands = 0 : i64, tpu.core_type = #tpu.core_type<tc>, window_params = [{pipeline_mode = #tpu.pipeline_mode<synchronous>, transform_indices = @transform_0, window_bounds = array<i64: 32, 8, 16, 16>}, {pipeline_mode = #tpu.pipeline_mode<synchronous>, transform_indices = @transform_1, window_bounds = array<i64: 1, 4>}]} {
    %get3A = arith.constant 0 : index
    %get3A_0 = arith.constant 0 : index
    %get3A_1 = arith.constant 0 : index
    %get3A_2 = arith.constant 0 : index
    %get3A_3 = vector.load %arg1[%get3A, %get3A_0, %get3A_1, %get3A_2] : memref<32x8x16x16xi32, #tpu.memory_space<vmem>>, vector<32x8x16x16xi32>
    %reduce_sum3A = arith.constant dense<0> : vector<8x16xi32>
    %reduce_sum3A_4 = vector.multi_reduction <add>, %get3A_3, %reduce_sum3A [0, 2] : vector<32x8x16x16xi32> to vector<8x16xi32>
    %convert_element_type3A = arith.sitofp %reduce_sum3A_4 : vector<8x16xi32> to vector<8x16xf32>
    %slice3A = vector.extract_strided_slice %convert_element_type3A {offsets = [0, 0], sizes = [8, 1], strides = [1, 1]} : vector<8x16xf32> to vector<8x1xf32>
    %squeeze3A = vector.shape_cast %slice3A : vector<8x1xf32> to vector<8xf32>
    %slice3A_5 = vector.extract_strided_slice %convert_element_type3A {offsets = [0, 5], sizes = [8, 1], strides = [1, 1]} : vector<8x16xf32> to vector<8x1xf32>
    %squeeze3A_6 = vector.shape_cast %slice3A_5 : vector<8x1xf32> to vector<8xf32>
    %slice3A_7 = vector.extract_strided_slice %convert_element_type3A {offsets = [0, 10], sizes = [8, 1], strides = [1, 1]} : vector<8x16xf32> to vector<8x1xf32>
    %squeeze3A_8 = vector.shape_cast %slice3A_7 : vector<8x1xf32> to vector<8xf32>
    %slice3A_9 = vector.extract_strided_slice %convert_element_type3A {offsets = [0, 15], sizes = [8, 1], strides = [1, 1]} : vector<8x16xf32> to vector<8x1xf32>
    %squeeze3A_10 = vector.shape_cast %slice3A_9 : vector<8x1xf32> to vector<8xf32>
    %stack3A = vector.shape_cast %squeeze3A : vector<8xf32> to vector<8x1xf32>
    %stack3A_11 = vector.shape_cast %squeeze3A_6 : vector<8xf32> to vector<8x1xf32>
    %stack3A_12 = vector.shape_cast %squeeze3A_8 : vector<8xf32> to vector<8x1xf32>
    %stack3A_13 = vector.shape_cast %squeeze3A_10 : vector<8xf32> to vector<8x1xf32>
    %stack3A_14 = tpu.concatenate %stack3A, %stack3A_11, %stack3A_12, %stack3A_13 in 1 : vector<8x1xf32>, vector<8x1xf32>, vector<8x1xf32>, vector<8x1xf32> -> vector<8x4xf32>
    %slice3A_15 = vector.extract_strided_slice %convert_element_type3A {offsets = [0, 0], sizes = [8, 1], strides = [1, 1]} : vector<8x16xf32> to vector<8x1xf32>
    %squeeze3A_16 = vector.shape_cast %slice3A_15 : vector<8x1xf32> to vector<8xf32>
    %slice3A_17 = vector.extract_strided_slice %convert_element_type3A {offsets = [0, 1], sizes = [8, 1], strides = [1, 1]} : vector<8x16xf32> to vector<8x1xf32>
    %squeeze3A_18 = vector.shape_cast %slice3A_17 : vector<8x1xf32> to vector<8xf32>
    %add3A = arith.addf %squeeze3A_16, %squeeze3A_18 : vector<8xf32>
    %slice3A_19 = vector.extract_strided_slice %convert_element_type3A {offsets = [0, 2], sizes = [8, 1], strides = [1, 1]} : vector<8x16xf32> to vector<8x1xf32>
    %squeeze3A_20 = vector.shape_cast %slice3A_19 : vector<8x1xf32> to vector<8xf32>
    %add3A_21 = arith.addf %add3A, %squeeze3A_20 : vector<8xf32>
    %slice3A_22 = vector.extract_strided_slice %convert_element_type3A {offsets = [0, 3], sizes = [8, 1], strides = [1, 1]} : vector<8x16xf32> to vector<8x1xf32>
    %squeeze3A_23 = vector.shape_cast %slice3A_22 : vector<8x1xf32> to vector<8xf32>
    %add3A_24 = arith.addf %add3A_21, %squeeze3A_23 : vector<8xf32>
    %slice3A_25 = vector.extract_strided_slice %convert_element_type3A {offsets = [0, 4], sizes = [8, 1], strides = [1, 1]} : vector<8x16xf32> to vector<8x1xf32>
    %squeeze3A_26 = vector.shape_cast %slice3A_25 : vector<8x1xf32> to vector<8xf32>
    %slice3A_27 = vector.extract_strided_slice %convert_element_type3A {offsets = [0, 5], sizes = [8, 1], strides = [1, 1]} : vector<8x16xf32> to vector<8x1xf32>
    %squeeze3A_28 = vector.shape_cast %slice3A_27 : vector<8x1xf32> to vector<8xf32>
    %add3A_29 = arith.addf %squeeze3A_26, %squeeze3A_28 : vector<8xf32>
    %slice3A_30 = vector.extract_strided_slice %convert_element_type3A {offsets = [0, 6], sizes = [8, 1], strides = [1, 1]} : vector<8x16xf32> to vector<8x1xf32>
    %squeeze3A_31 = vector.shape_cast %slice3A_30 : vector<8x1xf32> to vector<8xf32>
    %add3A_32 = arith.addf %add3A_29, %squeeze3A_31 : vector<8xf32>
    %slice3A_33 = vector.extract_strided_slice %convert_element_type3A {offsets = [0, 7], sizes = [8, 1], strides = [1, 1]} : vector<8x16xf32> to vector<8x1xf32>
    %squeeze3A_34 = vector.shape_cast %slice3A_33 : vector<8x1xf32> to vector<8xf32>
    %add3A_35 = arith.addf %add3A_32, %squeeze3A_34 : vector<8xf32>
    %slice3A_36 = vector.extract_strided_slice %convert_element_type3A {offsets = [0, 8], sizes = [8, 1], strides = [1, 1]} : vector<8x16xf32> to vector<8x1xf32>
    %squeeze3A_37 = vector.shape_cast %slice3A_36 : vector<8x1xf32> to vector<8xf32>
    %slice3A_38 = vector.extract_strided_slice %convert_element_type3A {offsets = [0, 9], sizes = [8, 1], strides = [1, 1]} : vector<8x16xf32> to vector<8x1xf32>
    %squeeze3A_39 = vector.shape_cast %slice3A_38 : vector<8x1xf32> to vector<8xf32>
    %add3A_40 = arith.addf %squeeze3A_37, %squeeze3A_39 : vector<8xf32>
    %slice3A_41 = vector.extract_strided_slice %convert_element_type3A {offsets = [0, 10], sizes = [8, 1], strides = [1, 1]} : vector<8x16xf32> to vector<8x1xf32>
    %squeeze3A_42 = vector.shape_cast %slice3A_41 : vector<8x1xf32> to vector<8xf32>
    %add3A_43 = arith.addf %add3A_40, %squeeze3A_42 : vector<8xf32>
    %slice3A_44 = vector.extract_strided_slice %convert_element_type3A {offsets = [0, 11], sizes = [8, 1], strides = [1, 1]} : vector<8x16xf32> to vector<8x1xf32>
    %squeeze3A_45 = vector.shape_cast %slice3A_44 : vector<8x1xf32> to vector<8xf32>
    %add3A_46 = arith.addf %add3A_43, %squeeze3A_45 : vector<8xf32>
    %slice3A_47 = vector.extract_strided_slice %convert_element_type3A {offsets = [0, 12], sizes = [8, 1], strides = [1, 1]} : vector<8x16xf32> to vector<8x1xf32>
    %squeeze3A_48 = vector.shape_cast %slice3A_47 : vector<8x1xf32> to vector<8xf32>
    %slice3A_49 = vector.extract_strided_slice %convert_element_type3A {offsets = [0, 13], sizes = [8, 1], strides = [1, 1]} : vector<8x16xf32> to vector<8x1xf32>
    %squeeze3A_50 = vector.shape_cast %slice3A_49 : vector<8x1xf32> to vector<8xf32>
    %add3A_51 = arith.addf %squeeze3A_48, %squeeze3A_50 : vector<8xf32>
    %slice3A_52 = vector.extract_strided_slice %convert_element_type3A {offsets = [0, 14], sizes = [8, 1], strides = [1, 1]} : vector<8x16xf32> to vector<8x1xf32>
    %squeeze3A_53 = vector.shape_cast %slice3A_52 : vector<8x1xf32> to vector<8xf32>
    %add3A_54 = arith.addf %add3A_51, %squeeze3A_53 : vector<8xf32>
    %slice3A_55 = vector.extract_strided_slice %convert_element_type3A {offsets = [0, 15], sizes = [8, 1], strides = [1, 1]} : vector<8x16xf32> to vector<8x1xf32>
    %squeeze3A_56 = vector.shape_cast %slice3A_55 : vector<8x1xf32> to vector<8xf32>
    %add3A_57 = arith.addf %add3A_54, %squeeze3A_56 : vector<8xf32>
    %slice3A_58 = vector.extract_strided_slice %convert_element_type3A {offsets = [0, 0], sizes = [8, 1], strides = [1, 1]} : vector<8x16xf32> to vector<8x1xf32>
    %squeeze3A_59 = vector.shape_cast %slice3A_58 : vector<8x1xf32> to vector<8xf32>
    %slice3A_60 = vector.extract_strided_slice %convert_element_type3A {offsets = [0, 4], sizes = [8, 1], strides = [1, 1]} : vector<8x16xf32> to vector<8x1xf32>
    %squeeze3A_61 = vector.shape_cast %slice3A_60 : vector<8x1xf32> to vector<8xf32>
    %add3A_62 = arith.addf %squeeze3A_59, %squeeze3A_61 : vector<8xf32>
    %slice3A_63 = vector.extract_strided_slice %convert_element_type3A {offsets = [0, 8], sizes = [8, 1], strides = [1, 1]} : vector<8x16xf32> to vector<8x1xf32>
    %squeeze3A_64 = vector.shape_cast %slice3A_63 : vector<8x1xf32> to vector<8xf32>
    %add3A_65 = arith.addf %add3A_62, %squeeze3A_64 : vector<8xf32>
    %slice3A_66 = vector.extract_strided_slice %convert_element_type3A {offsets = [0, 12], sizes = [8, 1], strides = [1, 1]} : vector<8x16xf32> to vector<8x1xf32>
    %squeeze3A_67 = vector.shape_cast %slice3A_66 : vector<8x1xf32> to vector<8xf32>
    %add3A_68 = arith.addf %add3A_65, %squeeze3A_67 : vector<8xf32>
    %slice3A_69 = vector.extract_strided_slice %convert_element_type3A {offsets = [0, 1], sizes = [8, 1], strides = [1, 1]} : vector<8x16xf32> to vector<8x1xf32>
    %squeeze3A_70 = vector.shape_cast %slice3A_69 : vector<8x1xf32> to vector<8xf32>
    %slice3A_71 = vector.extract_strided_slice %convert_element_type3A {offsets = [0, 5], sizes = [8, 1], strides = [1, 1]} : vector<8x16xf32> to vector<8x1xf32>
    %squeeze3A_72 = vector.shape_cast %slice3A_71 : vector<8x1xf32> to vector<8xf32>
    %add3A_73 = arith.addf %squeeze3A_70, %squeeze3A_72 : vector<8xf32>
    %slice3A_74 = vector.extract_strided_slice %convert_element_type3A {offsets = [0, 9], sizes = [8, 1], strides = [1, 1]} : vector<8x16xf32> to vector<8x1xf32>
    %squeeze3A_75 = vector.shape_cast %slice3A_74 : vector<8x1xf32> to vector<8xf32>
    %add3A_76 = arith.addf %add3A_73, %squeeze3A_75 : vector<8xf32>
    %slice3A_77 = vector.extract_strided_slice %convert_element_type3A {offsets = [0, 13], sizes = [8, 1], strides = [1, 1]} : vector<8x16xf32> to vector<8x1xf32>
    %squeeze3A_78 = vector.shape_cast %slice3A_77 : vector<8x1xf32> to vector<8xf32>
    %add3A_79 = arith.addf %add3A_76, %squeeze3A_78 : vector<8xf32>
    %slice3A_80 = vector.extract_strided_slice %convert_element_type3A {offsets = [0, 2], sizes = [8, 1], strides = [1, 1]} : vector<8x16xf32> to vector<8x1xf32>
    %squeeze3A_81 = vector.shape_cast %slice3A_80 : vector<8x1xf32> to vector<8xf32>
    %slice3A_82 = vector.extract_strided_slice %convert_element_type3A {offsets = [0, 6], sizes = [8, 1], strides = [1, 1]} : vector<8x16xf32> to vector<8x1xf32>
    %squeeze3A_83 = vector.shape_cast %slice3A_82 : vector<8x1xf32> to vector<8xf32>
    %add3A_84 = arith.addf %squeeze3A_81, %squeeze3A_83 : vector<8xf32>
    %slice3A_85 = vector.extract_strided_slice %convert_element_type3A {offsets = [0, 10], sizes = [8, 1], strides = [1, 1]} : vector<8x16xf32> to vector<8x1xf32>
    %squeeze3A_86 = vector.shape_cast %slice3A_85 : vector<8x1xf32> to vector<8xf32>
    %add3A_87 = arith.addf %add3A_84, %squeeze3A_86 : vector<8xf32>
    %slice3A_88 = vector.extract_strided_slice %convert_element_type3A {offsets = [0, 14], sizes = [8, 1], strides = [1, 1]} : vector<8x16xf32> to vector<8x1xf32>
    %squeeze3A_89 = vector.shape_cast %slice3A_88 : vector<8x1xf32> to vector<8xf32>
    %add3A_90 = arith.addf %add3A_87, %squeeze3A_89 : vector<8xf32>
    %slice3A_91 = vector.extract_strided_slice %convert_element_type3A {offsets = [0, 3], sizes = [8, 1], strides = [1, 1]} : vector<8x16xf32> to vector<8x1xf32>
    %squeeze3A_92 = vector.shape_cast %slice3A_91 : vector<8x1xf32> to vector<8xf32>
    %slice3A_93 = vector.extract_strided_slice %convert_element_type3A {offsets = [0, 7], sizes = [8, 1], strides = [1, 1]} : vector<8x16xf32> to vector<8x1xf32>
    %squeeze3A_94 = vector.shape_cast %slice3A_93 : vector<8x1xf32> to vector<8xf32>
    %add3A_95 = arith.addf %squeeze3A_92, %squeeze3A_94 : vector<8xf32>
    %slice3A_96 = vector.extract_strided_slice %convert_element_type3A {offsets = [0, 11], sizes = [8, 1], strides = [1, 1]} : vector<8x16xf32> to vector<8x1xf32>
    %squeeze3A_97 = vector.shape_cast %slice3A_96 : vector<8x1xf32> to vector<8xf32>
    %add3A_98 = arith.addf %add3A_95, %squeeze3A_97 : vector<8xf32>
    %slice3A_99 = vector.extract_strided_slice %convert_element_type3A {offsets = [0, 15], sizes = [8, 1], strides = [1, 1]} : vector<8x16xf32> to vector<8x1xf32>
    %squeeze3A_100 = vector.shape_cast %slice3A_99 : vector<8x1xf32> to vector<8xf32>
    %add3A_101 = arith.addf %add3A_98, %squeeze3A_100 : vector<8xf32>
    %stack3A_102 = vector.shape_cast %add3A_24 : vector<8xf32> to vector<8x1xf32>
    %stack3A_103 = vector.shape_cast %add3A_35 : vector<8xf32> to vector<8x1xf32>
    %stack3A_104 = vector.shape_cast %add3A_46 : vector<8xf32> to vector<8x1xf32>
    %stack3A_105 = vector.shape_cast %add3A_57 : vector<8xf32> to vector<8x1xf32>
    %stack3A_106 = tpu.concatenate %stack3A_102, %stack3A_103, %stack3A_104, %stack3A_105 in 1 : vector<8x1xf32>, vector<8x1xf32>, vector<8x1xf32>, vector<8x1xf32> -> vector<8x4xf32>
    %stack3A_107 = vector.shape_cast %add3A_68 : vector<8xf32> to vector<8x1xf32>
    %stack3A_108 = vector.shape_cast %add3A_79 : vector<8xf32> to vector<8x1xf32>
    %stack3A_109 = vector.shape_cast %add3A_90 : vector<8xf32> to vector<8x1xf32>
    %stack3A_110 = vector.shape_cast %add3A_101 : vector<8xf32> to vector<8x1xf32>
    %stack3A_111 = tpu.concatenate %stack3A_107, %stack3A_108, %stack3A_109, %stack3A_110 in 1 : vector<8x1xf32>, vector<8x1xf32>, vector<8x1xf32>, vector<8x1xf32> -> vector<8x4xf32>
    %add3A_112 = arith.addf %stack3A_106, %stack3A_111 : vector<8x4xf32>
    %mul3A = arith.constant 2.000000e+00 : f32
    %mul3A_113 = vector.broadcast %mul3A : f32 to vector<8x4xf32>
    %mul3A_114 = arith.mulf %mul3A_113, %stack3A_14 : vector<8x4xf32>
    %max3A = arith.constant 1.000000e+00 : f32
    %max3A_115 = vector.broadcast %max3A : f32 to vector<8x4xf32>
    %max3A_116 = arith.maximumf %add3A_112, %max3A_115 : vector<8x4xf32>
    %div3A = arith.divf %mul3A_114, %max3A_116 : vector<8x4xf32>
    %reduce_sum3A_117 = arith.constant dense<0.000000e+00> : vector<4xf32>
    %reduce_sum3A_118 = vector.multi_reduction <add>, %div3A, %reduce_sum3A_117 [0] : vector<8x4xf32> to vector<4xf32>
    %broadcast_in_dim3A = vector.shape_cast %reduce_sum3A_118 : vector<4xf32> to vector<1x4xf32>
    %div3A_119 = arith.constant 8.000000e+00 : f32
    %div3A_120 = vector.broadcast %div3A_119 : f32 to vector<1x4xf32>
    %div3A_121 = arith.divf %broadcast_in_dim3A, %div3A_120 : vector<1x4xf32>
    %swap3A = arith.constant 0 : index
    %swap3A_122 = arith.constant 0 : index
    %swap3A_123 = vector.load %arg2[%swap3A, %swap3A_122] : memref<1x4xf32, #tpu.memory_space<vmem>>, vector<1x4xf32>
    tpu.vector_store %arg2[%swap3A, %swap3A_122], %div3A_121 {strides = array<i32>} : memref<1x4xf32, #tpu.memory_space<vmem>>, vector<1x4xf32>,
    return
  }
  func.func @transform_0(%arg0: i32) -> (i32, i32, i32, i32) {
    %c0_i32 = arith.constant 0 : i32
    %c0_i32_0 = arith.constant 0 : i32
    %c0_i32_1 = arith.constant 0 : i32
    %c0_i32_2 = arith.constant 0 : i32
    %c0_i32_3 = arith.constant 0 : i32
    return %c0_i32, %c0_i32_0, %c0_i32_1, %c0_i32_2 : i32, i32, i32, i32
  }
  func.func @transform_1(%arg0: i32) -> (i32, i32) {
    %c0_i32 = arith.constant 0 : i32
    %c0_i32_0 = arith.constant 0 : i32
    %c0_i32_1 = arith.constant 0 : i32
    return %c0_i32, %c0_i32_0 : i32, i32
  }
}

</mosaic_0001>

<sc_bundles>
// kernel: kernel.4.cloned.1.call-start
scs
__scs_entry_jumppad:
0x0: {  	(pc) =	sbr.rel $0x88, $3  }
0x1: {  	(tag) =	ssettag $0x0;
	lr =	simm.s32 $0x1  }
0x2: {  	[smem:$0x3F9F] =	sst lr;
	_ =	strace $0xD0000000  }
0x3: {  	_ = 	snop  }
0x4: {  	_ = 	snop  }
0x5: {  	_ = 	snop  }
0x6: {  	_ = 	snop  }
0x7: {  	_ = 	snop  }
__scs_overlays_trampoline_lowered:
0x8: {  	[smem:$0x3FAE] =	sst s0  }
0x9: {  	[smem:$0x3FAF] =	sst s1  }
0xa: {  	[smem:$0x3FB0] =	sst s2  }
0xb: {  	[smem:$0x3FB1] =	sst s3  }
0xc: {  	[smem:$0x3FB2] =	sst s4  }
0xd: {  	[smem:$0x3FB3] =	sst s5  }
0xe: {  	[smem:$0x3FB4] =	sst s6  }
0xf: {  	[smem:$0x3FB5] =	sst s7  }
0x10: {  	[smem:$0x3FB6] =	sst s8  }
0x11: {  	[smem:$0x3FB7] =	sst s9;
	s0 =	simm.s32 @!p0 $0x0  }
0x12: {  	s1 =	sld [smem:$0x3F9D];
	s0 =	simm.s32 @p0 $0x1  }
0x13: {  	[smem:$0x3FB8] =	sst s0;
	s0 =	simm.s32 @!p1 $0x0  }
0x14: {  	s2 =	sld [smem:$0x3F9C];
	s0 =	simm.s32 @p1 $0x1  }
0x15: {  	[smem:$0x3FB9] =	sst s0;
	s0 =	simm.s32 @!p2 $0x0  }
0x16: {  	s3 =	sld [smem:$0x3FDB];
	s0 =	simm.s32 @p2 $0x1  }
0x17: {  	s4 =	simm.s32 $0x1BF5;
	[smem:$0x3FBB] =	sst s0  }
0x18: {  	s0 =	sld [smem:$0x3F9E];
	_ =	swait.ge [sflag:s4], $0x0  }
0x19: {  	s7 =	sld [smem:$0x3F9F]  }
0x1a: {  	s8 =	sadd.s32 $0xFFFFE003, lr  }
0x1b: {  	s9 =	sadd.s32 $0xFFFFFEF7, lr;
	s5 =	simm.s32 $0xFFFFFFFF;
	p2 =	slt.u32 s8, $0xFFFFF086  }
0x1c: {  	p1 =	slt.u32 s9, $0xF7A;
	s5 =	simm.s32 @!p2 $0x0  }
0x1d: {  	s5 =	simm.s32 @p1 $0x1;
	p0 =	seq.s32 s7, s2  }
0x1e: {  	s7 =	smul.u32 @!p0 $0xF7A, s2;
	p2 =	seq.s32 @!p0 s5, $0x0  }
0x1f: {  	s9 =	smul.u32 $0xF7A, s1;
	s8 =	simm.s32 @!p0 $0x1BF5;
	p2 =	por !p2, p0  }
0x20: {  	[sflag:s8] =	ssyncset.s32 @!p0 $0xFFFFF086;
	s6 =	sadd.s32 @!p0 s3, s7;
	s7 =	simm.s32 @!p0 $0x108  }
0x21: {  	s3 =	sadd.s32 s3, s9;
	s6 =	sadd.s32 @!p0 $0x88, s6;
	s7 =	simm.s32 @p2 $0x1082  }
0x22: {  	[simem:s7], [sflag:s8] =	dma.local @!p0 [hbm:s6], $0xF7A  }
0x23: {  	s9 =	sor.u32 $0xD0000000, s2;
	s6 =	simm.s32 $0x108;
	_ =	swait.ge @!p0 [sflag:s8], $0x0  }
0x24: {  	s3 =	sadd.s32 $0x88, s3;
	s6 =	simm.s32 @!p1 $0x1082;
	[sflag:s4] =	ssyncset.s32 $0xFFFFF086  }
0x25: {  	[simem:s6], [sflag:s4] =	dma.local [hbm:s3], $0xF7A  }
0x26: {  	[smem:$0x3F9F] =	sst s1;
	(tag) =	ssettag s2;
	_ =	strace s9  }
0x27: {  	s1 =	sld [smem:$0x3FAF]  }
0x28: {  	s2 =	sld [smem:$0x3FB0]  }
0x29: {  	s4 =	sld [smem:$0x3FB2]  }
0x2a: {  	p0 =	seq.s32 s5, $0x0;
	s5 =	sld [smem:$0x3FB3]  }
0x2b: {  	s6 =	sld [smem:$0x3FB4]  }
0x2c: {  	s7 =	sld [smem:$0x3FB5]  }
0x2d: {  	s3 =	simm.s32 $0x108;
	s8 =	sld [smem:$0x3FB6]  }
0x2e: {  	s3 =	simm.s32 @!p0 $0x1082;
	s9 =	sld [smem:$0x3FB7]  }
0x2f: {  	lr =	sadd.s32 s0, s3;
	s0 =	sld [smem:$0x3FAE]  }
0x30: {  	s3 =	sld [smem:$0x3FB1]  }
0x31: {  	[smem:$0x3FBA] =	sst s10  }
0x32: {  	s10 =	sld [smem:$0x3FB8];
	_ =	sdelay $0x3  }
0x33: {  	p0 =	seq.s32 s10, $0x1;
	s10 =	sld [smem:$0x3FBA];
	_ =	sdelay $0x3  }
0x34: {  	[smem:$0x3FBA] =	sst s10  }
0x35: {  	s10 =	sld [smem:$0x3FB9];
	_ =	sdelay $0x3  }
0x36: {  	p1 =	seq.s32 s10, $0x1;
	s10 =	sld [smem:$0x3FBA];
	_ =	sdelay $0x3  }
0x37: {  	[smem:$0x3FBA] =	sst s10  }
0x38: {  	s10 =	sld [smem:$0x3FBB]  }
0x39: {  	_ = 	snop;
	(pc) =	sbr.ind lr, $3  }
0x3a: {  	_ = 	snop  }
0x3b: {  	_ = 	snop  }
0x3c: {  	p2 =	seq.s32 s10, $0x1;
	s10 =	sld [smem:$0x3FBA]  }
0x3d: {  	_ =	shalt  }
0x3e: {  	_ =	shalt  }
0x3f: {  	_ =	shalt  }
0x40: {  	_ =	shalt  }
0x41: {  	_ =	shalt  }
0x42: {  	_ =	shalt  }
0x43: {  	_ =	shalt  }
0x44: {  	_ =	shalt  }
0x45: {  	_ =	shalt  }
0x46: {  	_ =	shalt  }
0x47: {  	_ =	shalt  }
0x48: {  	_ =	shalt  }
0x49: {  	_ =	shalt  }
0x4a: {  	_ =	shalt  }
0x4b: {  	_ =	shalt  }
0x4c: {  	_ =	shalt  }
0x4d: {  	_ =	shalt  }
0x4e: {  	_ =	shalt  }
0x4f: {  	_ =	shalt  }
0x50: {  	_ =	shalt  }
0x51: {  	_ =	shalt  }
0x52: {  	_ =	shalt  }
0x53: {  	_ =	shalt  }
0x54: {  	_ =	shalt  }
0x55: {  	_ =	shalt  }
0x56: {  	_ =	shalt  }
0x57: {  	_ =	shalt  }
0x58: {  	_ =	shalt  }
0x59: {  	_ =	shalt  }
0x5a: {  	_ =	shalt  }
0x5b: {  	_ =	shalt  }
0x5c: {  	_ =	shalt  }
0x5d: {  	_ =	shalt  }
0x5e: {  	_ =	shalt  }
0x5f: {  	_ =	shalt  }
0x60: {  	_ =	shalt  }
0x61: {  	_ =	shalt  }
0x62: {  	_ =	shalt  }
0x63: {  	_ =	shalt  }
0x64: {  	_ =	shalt  }
0x65: {  	_ =	shalt  }
0x66: {  	_ =	shalt  }
0x67: {  	_ =	shalt  }
0x68: {  	_ =	shalt  }
0x69: {  	_ =	shalt  }
0x6a: {  	_ =	shalt  }
0x6b: {  	_ =	shalt  }
0x6c: {  	_ =	shalt  }
0x6d: {  	_ =	shalt  }
0x6e: {  	_ =	shalt  }
0x6f: {  	_ =	shalt  }
0x70: {  	_ =	shalt  }
0x71: {  	_ =	shalt  }
0x72: {  	_ =	shalt  }
0x73: {  	_ =	shalt  }
0x74: {  	_ =	shalt  }
0x75: {  	_ =	shalt  }
0x76: {  	_ =	shalt  }
0x77: {  	_ =	shalt  }
0x78: {  	_ =	shalt  }
0x79: {  	_ =	shalt  }
0x7a: {  	_ =	shalt  }
0x7b: {  	_ =	shalt  }
0x7c: {  	_ =	shalt  }
0x7d: {  	_ =	shalt  }
0x7e: {  	_ =	shalt  }
0x7f: {  	_ =	shalt  }
0x80: {  	_ =	shalt  }
0x81: {  	_ =	shalt  }
0x82: {  	_ =	shalt  }
0x83: {  	_ =	shalt  }
0x84: {  	_ =	shalt  }
0x85: {  	_ =	shalt  }
0x86: {  	_ =	shalt  }
0x87: {  	_ =	shalt  }
.Lfunc_end0:
.L_simem_size_0:
called_computation_lowered:
.L_overlay_start_0:
0x88: {  	s2 =	sld [smem:$0x3FD9]  }
0x89: {  	s3 =	sld [smem:$0x3FFE];
	_ =	sdelay $0x1  }
0x8a: {  	s1 =	srdreg.scid  }
0x8b: {  	s0 =	sand.u32 $0x1, s1  }
0x8c: {  	s16 =	sshll.u32 s0, $0xA;
	s2 =	sadd.s32 s3, s2  }
0x8d: {  	s2 =	sadd.s32 s2, s16  }
0x8e: {  	[smem:$0x3FC6] =	sst s2  }
0x8f: {  	_ = 	snop  }
0x90: {  	(tm) =	ssettm $0x1  }
0x91: {  	s17 =	sld [smem:$0x3FFB];
	_ =	sdelay $0x3  }
0x92: {  	_ =	strace s17  }
0x93: {  	s2 =	sld [smem:$0x3FFC];
	_ =	sdelay $0x3  }
0x94: {  	_ =	strace s2  }
0x95: {  	s2 =	sld [smem:$0x3FFD];
	_ =	sdelay $0x3  }
0x96: {  	_ =	strace s2  }
0x97: {  	_ =	strace $0x8FFFFFFF  }
0x98: {  	s18 =	sld [smem:$0x3FDB];
	_ =	sdelay $0x1  }
0x99: {  	s19 =	simm.s32 $_scs_section_size  }
0x9a: {  	s4 =	simm.s32 $_size__tile_overlayer_lowered;
	s5 =	simm.s32 $_tile_overlayer_lowered  }
0x9b: {  	s22 =	simm.s32 $0x1BFF;
	s21 =	sshll.u32 s5, $0x1;
	s2 =	sadd.s32 s19, s18  }
0x9c: {  	s6 =	simm.s32 $0x0;
	s20 =	sshll.u32 s4, $0x1;
	s4 =	sadd.s32 s21, s2  }
0x9d: {  	[timem:s6], [sflag:s22] =	dma.local [hbm:s4], s20  }
0x9e: {  	_ =	swait.ge [sflag:s22], s20  }
0x9f: {  	s3 =	ssub.s32 $0x0, s20;
	[sflag:s22] =	ssyncset.done $0x0  }
0xa0: {  	[sflag:s22] =	ssyncadd.s32 s3;
	_ =	sdelay $0x1  }
0xa1: {  	s23 =	simm.s32 $0x1B8B  }
0xa2: {  	_ =	swait.ge [sflag:s23], $0x1  }
0xa3: {  	[sflag:s23] =	ssyncset.done $0x0  }
0xa4: {  	s25 =	simm.s32 $0x1B8E;
	s24 =	sld [smem:$0x3FFE];
	[sflag:s23] =	ssyncadd.s32 $0xFFFFFFFF  }
0xa5: {  	s26 =	simm.s32 $execute0_lowered;
	[smem:$0x3FD2] =	sst s25  }
0xa6: {  	s4 =	sshll.u32 s26, $0x1;
	_ =	strace $0x80000046;
	[dreg:$0x1] =	wrdreg $0xFFFFFFFF  }
0xa7: {  	s28 =	simm.s32 $_size_execute0_lowered;
	s2 =	sadd.s32 s2, s4;
	[dreg:$0x0] =	wrdreg $0x0  }
0xa8: {  	s4 =	sshll.u32 s28, $0x1;
	[dreg:$0x2] =	wrdreg s2  }
0xa9: {  	[dreg:$0x3] =	wrdreg s4  }
0xaa: {  	[dreg:$0x4] =	wrdreg $0xC0  }
0xab: {  	_ =	task [dreg:s6], $0x5FFFF  }
0xac: {  	[dreg:$0x1] =	wrdreg $0xFFFFFFFF  }
0xad: {  	[dreg:$0x0] =	wrdreg $0x60  }
0xae: {  	[dreg:$0x2] =	wrdreg s24  }
0xaf: {  	[dreg:$0x3] =	wrdreg $0x9  }
0xb0: {  	_ =	task.clear_ibuf [dreg:s6], $0x4FFFF;
	_ =	strace $0x90000046  }
0xb1: {  	s29 =	simm.s32 $0x9;
	_ =	strace $0x80000048  }
0xb2: {  	_ =	swait.ge [sflag:s29], $0x1  }
0xb3: {  	[sflag:s29] =	ssyncadd.s32 $0xFFFFFFFF  }
0xb4: {  	_ =	strace $0x90000048  }
0xb5: {  	_ =	sfence  }
0xb6: {  	s30 =	sld [smem:$0x0];
	_ =	sdelay $0x2  }
0xb7: {  	s31 =	sshll.u32 s1, $0xD;
	s1 =	sshrl.u32 s1, $0x2  }
0xb8: {  	s3 =	sand.u32 $0x4000, s31;
	s1 =	sadd.s32 s1, s30  }
0xb9: {  	s0 =	sor.u32 s3, s0;
	s1 =	sshll.u32 s1, $0x11  }
0xba: {  	s0 =	sor.u32 s1, s0  }
0xbb: {  	s0 =	sadd.s32 $0x8F2B, s0  }
0xbc: {  	[sflag:s0] =	ssyncadd.remote.s32 $0x1  }
0xbd: {  	_ =	sfence.sel $0xFFFF  }
0xbe: {  	[dreg:$0x0] =	wrdreg $0xFFFFFFFF;
	(pc) =	sbr.abs _section_cstart, $3  }
0xbf: {  	[dreg:$0x1] =	wrdreg $0xFFFFFFFF  }
0xc0: {  	_ =	task.clear_ibuf [dreg:s6], $0x2FFFF;
	_ =	strace $0x9FFFFFFF  }
0xc1: {  	(tm) =	ssettm $0x7FFFFFFF  }
tec
execute0_lowered:
.L_overlay_start_1:
0x0: {  	(tag) =	ssettag $0x1  }
0x1: {  	s7 =	rddreg [dreg:$0x0]  }
0x2: {  	s0 =	rddreg [dreg:$0x1]  }
0x3: {  	s2 =	simm.s32 $0x0;
	s3 =	srdreg.scid;
	s1 =	stileid.u32  }
0x4: {  	s12 =	simm.s32 $0x200;
	s13 =	simm.s32 $0x2000;
	s14 =	simm.s32 $0x4000  }
0x5: {  	s15 =	simm.s32 $0x6000;
	s16 =	simm.s32 $0x400;
	s17 =	simm.s32 $0x8000  }
0x6: {  	s18 =	simm.s32 $0x1;
	s19 =	simm.s32 $0xA000;
	s20 =	simm.s32 $0xA800  }
0x7: {  	s21 =	simm.s32 $0xB000;
	s22 =	simm.s32 $0xB800;
	s23 =	simm.s32 $0x0  }
0x8: {  	[smem:$0x7FF] =	sst s2;
	s4 =	sand.u32 $0x1, s3;
	s5 =	sshll.u32 s1, $0x1  }
0x9: {  	s3 =	sadd.s32 $0x40600, s7;
	_ =	strace $0x80000047;
	s5 =	sor.u32 s4, s5  }
0xa: {  	s4 =	ssub.s32 $0x2, s4;
	s6 =	sshll.u32 s5, $0xD;
	s8 =	sshll.u32 s5, $0xB  }
0xb: {  	s31 =	sshrl.u32 s4, $0x1;
	s9 =	sadd.s32 s6, s7;
	s10 =	sadd.s32 s8, s7  }
0xc: {  	s11 =	ssub.s32 s4, s31;
	s4 =	sshll.u32 s5, $0xC;
	s5 =	sadd.s32 $0x40610, s7  }
0xd: {  	v0 =	vimm.s32 $0x0;
	v2 =	vlaneseq.u32;
	s6 =	sadd.s32 $0x40620, s7;
	s7 =	sadd.s32 $0x40630, s7;
	s8 =	sadd.s32 $0x600, s9  }
0xe: {  	v1 =	vimm.s32 $0x2;
	v3 =	vimm.s32 $0x1;
	v2 =	vmul.u32 $0x80, v2;
	s9 =	sadd.s32 $0x140600, s10;
	s10 =	smax.u32 s11, $0x1;
	s11 =	simm.s32 $0x80  }
.LBB2_1:
0xf: {  	s24 =	simm.s32 $0x0  }
.LBB2_2:
0x10: {  	s26 =	simm.s32 $0x200;
	s25 =	simm.s32 $0x0  }
.LBB2_3:
0x11: {  	p0 =	sne.s32 s26, $0x1E00;
	[tilespmem:s25+$0xB800] =	vst v0;
	s28 =	smov.u32 s26;
	s26 =	sadd.s32 $0x200, s26  }
.Ltmp0:
0x12: {  	[tilespmem:s25+$0xB000] =	vst v0;
	(pc) =	sbr.rel @p0 .LBB2_3-.Ltmp0, $3  }
0x13: {  	[tilespmem:s25+$0xA000] =	vst v0  }
0x14: {  	[tilespmem:s25+$0xA800] =	vst v0;
	_ =	sdelay $0x1  }
0x15: {  	s25 =	sshra.s32 s28, $0x2  }
0x16: {  	[tilespmem:s25+$0xB800] =	vst v0  }
0x17: {  	[tilespmem:s25+$0xB000] =	vst v0;
	s26 =	sshll.u32 s24, $0x11  }
0x18: {  	[tilespmem:s25+$0xA000] =	vst v0;
	s26 =	sor.u32 s4, s26  }
0x19: {  	[tilespmem:s25+$0xA800] =	vst v0;
	s25 =	simm.s32 $0x0;
	s28 =	sadd.s32 s3, s26  }
0x1a: {  	[tilespmem:s25], [sflag:$0x1] =	stream.strided.gather [hbm4b:s28+s11], $0x2000, s12, s11, $0x38;
	[tilespmem:$0xC000] =	vst v63  }
0x1b: {  	s29 =	sadd.s32 s26, s5  }
0x1c: {  	[tilespmem:s13], [sflag:$0x1] =	stream.strided.gather [hbm4b:s29+s11], $0x2000, s12, s11, $0x38;
	[tilespmem:$0xC000] =	vst v63  }
0x1d: {  	s30 =	sadd.s32 s26, s6  }
0x1e: {  	[tilespmem:s14], [sflag:$0x1] =	stream.strided.gather [hbm4b:s30+s11], $0x2000, s12, s11, $0x38;
	[tilespmem:$0xC000] =	vst v63  }
0x1f: {  	s31 =	sshll.u32 s24, $0x4;
	s26 =	sadd.s32 s26, s7  }
0x20: {  	[tilespmem:s15], [sflag:$0x1] =	stream.strided.gather [hbm4b:s26+s11], $0x2000, s12, s11, $0x38;
	[tilespmem:$0xC000] =	vst v63  }
0x21: {  	s26 =	sadd.s32 s31, s8  }
0x22: {  	[tilespmem:s17], [sflag:$0x1] =	stream.strided.gather [hbm4b:s26+s11], $0x2000, s16, s11, $0x38;
	[tilespmem:$0xC000] =	vst v63  }
0x23: {  	_ =	swait.ge [sflag:s18], $0x2000  }
0x24: {  	[sflag:s18] =	ssyncset.done $0x0  }
0x25: {  	[sflag:s18] =	ssyncadd.s32 $0xFFFFE000  }
0x26: {  	_ =	swait.ge [sflag:s18], $0x2000  }
0x27: {  	[sflag:s18] =	ssyncset.done $0x0  }
0x28: {  	[sflag:s18] =	ssyncadd.s32 $0xFFFFE000  }
0x29: {  	_ =	swait.ge [sflag:s18], $0x2000  }
0x2a: {  	[sflag:s18] =	ssyncset.done $0x0  }
0x2b: {  	[sflag:s18] =	ssyncadd.s32 $0xFFFFE000  }
0x2c: {  	_ =	swait.ge [sflag:s18], $0x2000  }
0x2d: {  	[sflag:s18] =	ssyncset.done $0x0  }
0x2e: {  	[sflag:s18] =	ssyncadd.s32 $0xFFFFE000  }
0x2f: {  	_ =	swait.ge [sflag:s18], $0x2000  }
0x30: {  	[sflag:s18] =	ssyncset.done $0x0  }
0x31: {  	[sflag:s18] =	ssyncadd.s32 $0xFFFFE000  }
.LBB2_5:
0x32: {  	s26 =	sshra.s32 s25, $0x2  }
0x33: {  	v4 =	vld [tilespmem:s26+$0x0]  }
0x34: {  	v5 =	vld [tilespmem:s26+$0x2000]  }
0x35: {  	v6 =	vld [tilespmem:s26+$0x4000]  }
0x36: {  	v7 =	vld [tilespmem:s26+$0x6000];
	_ =	sdelay $0x2  }
0x37: {  	v8 =	vld [tilespmem:s26+$0x8000]  }
0x38: {  	vm0 =	vgt.f32 v5, v4  }
0x39: {  	vm1 =	vgt.f32 v7, v6;
	v6 =	vmax.f32 v6, v7;
	v4 =	vmax.f32 v4, v5  }
0x3a: {  	vm2 =	vgt.f32 v6, v4;
	v4 =	vsel vm1, $0x3, v1;
	v5 =	vsel vm0, $0x1, v0  }
0x3b: {  	v4 =	vsel vm2, v4, v5  }
0x3c: {  	v5 =	vand.u32 $0x7F, v8;
	v4 =	vshll.u32 v4, $0x2  }
0x3d: {  	v51 =	vand.u32 $0xFFFFFF80, v8;
	v4 =	vor.u32 v4, v5  }
0x3e: {  	v4 =	vor.u32 v4, v51  }
0x3f: {  	v4 =	vadd.s32 v2, v4;
	_ =	sdelay $0x4  }
0x40: {  	[tilespmem:v4+s19+$0x0] =	vst.idx.add.s32.msk $0xffff, v3  }
0x41: {  	v4 =	vld [tilespmem:s26+$0x10]  }
0x42: {  	v5 =	vld [tilespmem:s26+$0x2010]  }
0x43: {  	v52 =	vld [tilespmem:s26+$0x4010]  }
0x44: {  	v53 =	vld [tilespmem:s26+$0x6010];
	_ =	sdelay $0x2  }
0x45: {  	v54 =	vld [tilespmem:s26+$0x8010]  }
0x46: {  	vm7 =	vgt.f32 v5, v4  }
0x47: {  	vm8 =	vgt.f32 v53, v52;
	v6 =	vmax.f32 v52, v53;
	v4 =	vmax.f32 v4, v5  }
0x48: {  	vm9 =	vgt.f32 v6, v4;
	v4 =	vsel vm8, $0x3, v1;
	v5 =	vsel vm7, $0x1, v0  }
0x49: {  	v4 =	vsel vm9, v4, v5  }
0x4a: {  	v5 =	vand.u32 $0x7F, v54;
	v4 =	vshll.u32 v4, $0x2  }
0x4b: {  	v55 =	vand.u32 $0xFFFFFF80, v54;
	v4 =	vor.u32 v4, v5  }
0x4c: {  	v4 =	vor.u32 v4, v55  }
0x4d: {  	v4 =	vadd.s32 v2, v4;
	_ =	sdelay $0x4  }
0x4e: {  	[tilespmem:v4+s20+$0x0] =	vst.idx.add.s32.msk $0xffff, v3  }
0x4f: {  	v4 =	vld [tilespmem:s26+$0x20]  }
0x50: {  	v5 =	vld [tilespmem:s26+$0x2020]  }
0x51: {  	v56 =	vld [tilespmem:s26+$0x4020]  }
0x52: {  	v57 =	vld [tilespmem:s26+$0x6020];
	_ =	sdelay $0x2  }
0x53: {  	v58 =	vld [tilespmem:s26+$0x8020]  }
0x54: {  	vm10 =	vgt.f32 v5, v4  }
0x55: {  	vm11 =	vgt.f32 v57, v56;
	v6 =	vmax.f32 v56, v57;
	v4 =	vmax.f32 v4, v5  }
0x56: {  	vm12 =	vgt.f32 v6, v4;
	v4 =	vsel vm11, $0x3, v1;
	v5 =	vsel vm10, $0x1, v0  }
0x57: {  	v4 =	vsel vm12, v4, v5  }
0x58: {  	v5 =	vand.u32 $0x7F, v58;
	v4 =	vshll.u32 v4, $0x2  }
0x59: {  	v59 =	vand.u32 $0xFFFFFF80, v58;
	v4 =	vor.u32 v4, v5  }
0x5a: {  	v4 =	vor.u32 v4, v59  }
0x5b: {  	v4 =	vadd.s32 v2, v4;
	_ =	sdelay $0x4  }
0x5c: {  	[tilespmem:v4+s21+$0x0] =	vst.idx.add.s32.msk $0xffff, v3  }
0x5d: {  	v4 =	vld [tilespmem:s26+$0x30]  }
0x5e: {  	v5 =	vld [tilespmem:s26+$0x2030]  }
0x5f: {  	v60 =	vld [tilespmem:s26+$0x4030]  }
0x60: {  	v61 =	vld [tilespmem:s26+$0x6030];
	_ =	sdelay $0x2  }
0x61: {  	v62 =	vld [tilespmem:s26+$0x8030]  }
0x62: {  	vm13 =	vgt.f32 v5, v4  }
0x63: {  	vm14 =	vgt.f32 v61, v60;
	v6 =	vmax.f32 v60, v61;
	v4 =	vmax.f32 v4, v5  }
0x64: {  	vm15 =	vgt.f32 v6, v4;
	v4 =	vsel vm14, $0x3, v1;
	v5 =	vsel vm13, $0x1, v0  }
0x65: {  	v4 =	vsel vm15, v4, v5  }
0x66: {  	v5 =	vand.u32 $0x7F, v62;
	v4 =	vshll.u32 v4, $0x2  }
0x67: {  	v63 =	vand.u32 $0xFFFFFF80, v62;
	v4 =	vor.u32 v4, v5  }
0x68: {  	v4 =	vor.u32 v4, v63  }
0x69: {  	p0 =	sne.s32 s25, $0x7F00;
	v4 =	vadd.s32 v2, v4  }
.Ltmp1:
0x6a: {  	_ = 	snop;
	(pc) =	sbr.rel @p0 .LBB2_5-.Ltmp1, $2  }
0x6b: {  	_ =	sdelay $0x2  }
0x6c: {  	s25 =	sadd.s32 $0x100, s25;
	[tilespmem:v4+s22+$0x0] =	vst.idx.add.s32.msk $0xffff, v3  }
0x6d: {  	s25 =	simm.s32 $0x0  }
0x6e: {  	s26 =	simm.s32 $0x200;
	v4 =	vld [tilespmem:s25+$0xA800]  }
.LBB2_7:
0x6f: {  	p0 =	sne.s32 s26, $0x1E00;
	v5 =	vld [tilespmem:s25+$0xA000]  }
0x70: {  	v6 =	vld [tilespmem:s25+$0xB000]  }
0x71: {  	v7 =	vld [tilespmem:s25+$0xB800];
	_ =	sdelay $0x1  }
.Ltmp2:
0x72: {  	(pc) =	sbr.rel @p0 .LBB2_7-.Ltmp2, $4  }
0x73: {  	v4 =	vadd.s32 v5, v4  }
0x74: {  	v4 =	vadd.s32 v6, v4  }
0x75: {  	s28 =	sshra.s32 s26, $0x2;
	v5 =	vadd.s32 v7, v4  }
0x76: {  	s26 =	sadd.s32 $0x200, s26;
	v4 =	vld [tilespmem:s28+$0xA800];
	[tilespmem:s25+$0xA000] =	vst v5;
	s25 =	smov.u32 s28  }
0x77: {  	v5 =	vld [tilespmem:s25+$0xA000]  }
0x78: {  	v6 =	vld [tilespmem:s25+$0xB000]  }
0x79: {  	v7 =	vld [tilespmem:s25+$0xB800];
	_ =	sdelay $0x2  }
0x7a: {  	v4 =	vadd.s32 v5, v4  }
0x7b: {  	s26 =	sshll.u32 s24, $0x8;
	s24 =	sadd.s32 $0x1, s24;
	v4 =	vadd.s32 v6, v4  }
0x7c: {  	p0 =	sne.s32 s24, $0x8;
	v4 =	vadd.s32 v7, v4  }
.Ltmp3:
0x7d: {  	s31 =	sadd.s32 s26, s9;
	[tilespmem:s25+$0xA000] =	vst v4;
	(pc) =	sbr.rel @p0 .LBB2_2-.Ltmp3, $4  }
0x7e: {  	[hbm4b:s31+s2] =	stream.linear.scatter [tilespmem:s19], [sflag:$0x1], $0x800, $0x38;
	[tilespmem:$0xC000] =	vst v63  }
0x7f: {  	_ =	swait.ge [sflag:s18], $0x800  }
0x80: {  	[sflag:s18] =	ssyncset.done $0x0  }
0x81: {  	[sflag:s18] =	ssyncadd.s32 $0xFFFFF800  }
0x82: {  	s23 =	sadd.s32 $0x1, s23  }
0x83: {  	p0 =	sne.s32 s23, s10  }
.Ltmp4:
0x84: {  	_ = 	snop;
	(pc) =	sbr.rel @p0 .LBB2_1-.Ltmp4, $1  }
0x85: {  	_ =	sdelay $0x3  }
0x86: {  	_ =	sfence.sel $0x180000  }
0x87: {  	[bflag:$0x0] =	sbarrier.arrive $0xFFFF  }
0x88: {  	p0 =	sne.s32 s1, $0x0;
	_ =	strace $0x90000047  }
0x89: {  	s0 =	sadd.s32 @!p0 $0x100000, s0;
	[bflag:$0x2] =	sbarrier.arrive $0xFFFF  }
0x8a: {  	[sflag:s0] =	ssyncadd.tile.s32 @!p0 $0x1;
	_ =	shalt  }
.Lfunc_end2:
_tile_overlayer_lowered:
.L_overlay_start_2:
0x8b: {  	(tag) =	ssettag $0x2  }
0x8c: {  	s0 =	rddreg [dreg:$0x0];
	s2 =	stileid.u32  }
0x8d: {  	s1 =	rddreg [dreg:$0x1];
	p0 =	sne.s32 s2, $0x0  }
0x8e: {  	s3 =	rddreg [dreg:$0x2];
	[bflag:$0x3] =	sbarrier.arrive $0xFFFF;
	s2 =	simm.s32 @!p0 $0x1C02  }
0x8f: {  	[timem:s3], [sflag:s2] =	dma.local @!p0 [hbm:s0], s1  }
0x90: {  	s0 =	simm.s32 @!p0 $0x2  }
0x91: {  	_ =	swait.ge @!p0 [sflag:s0], s1  }
0x92: {  	s1 =	ssub.s32 @!p0 $0x0, s1;
	[sflag:s0] =	ssyncset.done @!p0 $0x0  }
0x93: {  	[sflag:s0] =	ssyncadd.s32 @!p0 s1  }
0x94: {  	[bflag:$0x3] =	sbarrier.arrive $0xFFFF  }
0x95: {  	_ =	shalt  }

</sc_bundles>
